<compile_context>
chip_gen: v7x
topology: tpu7x:2x2x1
jax: 0.10.2.dev20260603
libtpu: 0.0.44.dev20260713+nightly
codegen_flags: <defaults>
</compile_context>

<pallas_src>
import functools

import jax
import jax.numpy as jnp
from jax import lax
from jax.experimental import pallas as pl
from jax.experimental.pallas import tpu as pltpu
from jax.experimental.pallas import tpu_sc as plsc

B, S, D = 2, 2048, 1024
E, K, R = 16, 2, 16
ER = E * R
T = B * S
SCALE = 1.0

TS = 2048
TS1 = 2048


def _tc_fwd_body(x_ref, wr_ref, logits_ref):
    lg = jnp.dot(x_ref[...], wr_ref[...], preferred_element_type=jnp.float32)
    logits_ref[...] = jnp.concatenate(
        [lg, jnp.zeros((lg.shape[0], 128 - E), jnp.float32)], axis=1
    )


def _tc_fwd(x2d, w_router):
    return pl.pallas_call(
        _tc_fwd_body,
        grid=(T // TS1,),
        in_specs=[
            pl.BlockSpec((TS1, D), lambda i: (i, 0)),
            pl.BlockSpec((D, E), lambda i: (0, 0)),
        ],
        out_specs=pl.BlockSpec((TS1, 128), lambda i: (i, 0)),
        out_shape=jax.ShapeDtypeStruct((T, 128), jnp.float32),
        compiler_params=pltpu.CompilerParams(
            dimension_semantics=("arbitrary",),
        ),
    )(x2d, w_router)


def _make_sc_gather():
    info = plsc.get_sparse_core_info()
    nw = info.num_subcores
    chunk = T // nw

    mesh = plsc.VectorSubcoreMesh(
        core_axis_name="c", subcore_axis_name="s", num_cores=1
    )

    @functools.partial(
        pl.kernel,
        mesh=mesh,
        out_type=jax.ShapeDtypeStruct((T, 128), jnp.float32),
        compiler_params=pltpu.CompilerParams(skip_device_barrier=True),
        scratch_types=[
            pltpu.VMEM((chunk,), jnp.int32),
            pltpu.VMEM((chunk, 128), jnp.float32),
            pltpu.SemaphoreType.DMA,
        ],
    )
    def sc_gather(logits_hbm, gidx_hbm, rl_out, idx_v, rows_v, sem):
        base = lax.axis_index("s") * chunk

        pltpu.sync_copy(gidx_hbm.at[pl.ds(base, chunk)], idx_v)
        pltpu.async_copy(logits_hbm.at[idx_v], rows_v, sem).wait()
        pltpu.sync_copy(rows_v, rl_out.at[pl.ds(base, chunk)])

    return sc_gather


_sc_gather = _make_sc_gather()


def _tc_out_body(x_ref, rl_ref, af_ref, bf_ref, o_ref, rl_out_ref):
    rl = rl_ref[:, :E]
    lanes = lax.broadcasted_iota(jnp.int32, rl.shape, 1)
    m1 = jnp.max(rl, axis=-1, keepdims=True)
    i1 = jnp.min(jnp.where(rl == m1, lanes, E), axis=-1, keepdims=True)
    sel1 = lanes == i1
    rl2 = jnp.where(sel1, -jnp.inf, rl)
    m2 = jnp.max(rl2, axis=-1, keepdims=True)
    i2 = jnp.min(jnp.where(rl2 == m2, lanes, E), axis=-1, keepdims=True)
    sel2 = lanes == i2
    d = jnp.exp(m2 - m1)
    w1 = 1.0 / (1.0 + d)
    w2 = d * w1
    mask = jnp.where(sel1, w1, 0.0) + jnp.where(sel2, w2, 0.0)

    row = lax.broadcasted_iota(jnp.int32, (E, ER), 0)
    col = lax.broadcasted_iota(jnp.int32, (E, ER), 1)
    expand = (col // R == row).astype(jnp.float32)
    me = jnp.dot(mask, expand, preferred_element_type=jnp.float32)

    x = x_ref[...]
    h = jnp.dot(
        x.astype(jnp.bfloat16), af_ref[...], preferred_element_type=jnp.float32
    )
    hm = (h * me).astype(jnp.bfloat16)
    o_ref[...] = x + SCALE * jnp.dot(
        hm, bf_ref[...], preferred_element_type=jnp.float32
    )
    rl_out_ref[...] = rl


def _tc_out(x2d, router_logits, a_flat, b_flat):
    return pl.pallas_call(
        _tc_out_body,
        grid=(T // TS,),
        in_specs=[
            pl.BlockSpec((TS, D), lambda i: (i, 0)),
            pl.BlockSpec((TS, 128), lambda i: (i, 0)),
            pl.BlockSpec((D, ER), lambda i: (0, 0)),
            pl.BlockSpec((ER, D), lambda i: (0, 0)),
        ],
        out_specs=[
            pl.BlockSpec((TS, D), lambda i: (i, 0)),
            pl.BlockSpec((TS, E), lambda i: (i, 0)),
        ],
        out_shape=[
            jax.ShapeDtypeStruct((T, D), jnp.float32),
            jax.ShapeDtypeStruct((T, E), jnp.float32),
        ],
        compiler_params=pltpu.CompilerParams(
            dimension_semantics=("arbitrary",),
        ),
    )(x2d, router_logits, a_flat, b_flat)


def kernel(x, router_hs_idxs, W_router, A, Bw):
    x2d = x.reshape(T, D)
    a_flat = jnp.transpose(A.astype(jnp.bfloat16), (1, 0, 2)).reshape(D, ER)
    b_flat = Bw.astype(jnp.bfloat16).reshape(ER, D)
    gidx = (router_hs_idxs + jnp.arange(B, dtype=jnp.int32)[:, None] * S).reshape(T)

    logits_all = _tc_fwd(x2d, W_router)
    rl_pad = _sc_gather(logits_all, gidx)
    out, router_logits = _tc_out(x2d, rl_pad, a_flat, b_flat)

    return out.reshape(B, S, D), router_logits.reshape(B, S, E)

# --- scband reference (transcript-rebuilt; emitter-appended) ---
"""Pipeline reference for scband-routable-lm-model-51256139710798 (READ-ONLY COPY).

The authoritative reference and input builder live on the scoring server;
editing this copy changes nothing except your own understanding.
"""

import jax, jax.numpy as jnp
import numpy as np

B, S, D = 2, 2048, 1024
E, K, R = 16, 2, 16
SCALE = 1.0


def fast_gather(hidden_states, indices):
    # Faithful to module's fast_gather: one-hot einsum gather over the seq axis
    one_hot = jax.nn.one_hot(indices, hidden_states.shape[1], dtype=hidden_states.dtype)
    return jnp.einsum('bst,bte->bse', one_hot, hidden_states)


def create_expert_mask(indices, values, num_experts):
    # Faithful to module's create_expert_mask: scatter top-k routing weights into expert dim
    # indices: [B, S, K] int, values: [B, S, K] float -> [B, S, E]
    one_hot = jax.nn.one_hot(indices, num_experts, dtype=values.dtype)  # [B,S,K,E]
    return jnp.sum(one_hot * values[..., None], axis=2)


def setup_inputs(seed: int = 0) -> dict:
    key = jax.random.key(seed)
    ks = jax.random.split(key, 5)
    x = jax.random.normal(ks[0], (B, S, D), dtype=jnp.float32)
    router_hs_idxs = jax.random.randint(ks[1], (B, S), 0, S, dtype=jnp.int32)
    W_router = (jax.random.normal(ks[2], (D, E), dtype=jnp.float32) * 0.02)
    A = (jax.random.normal(ks[3], (E, D, R), dtype=jnp.float32) * 0.02)
    Bw = (jax.random.normal(ks[4], (E, R, D), dtype=jnp.float32) * 0.02)
    return {'x': x, 'router_hs_idxs': router_hs_idxs, 'W_router': W_router, 'A': A, 'Bw': Bw}


def reference(x, router_hs_idxs, W_router, A, Bw):
    # 1) gather hidden states at router positions (fast_gather via one-hot einsum)
    router_inputs = fast_gather(x, router_hs_idxs)
    # router_stop_grad=True in the original module
    router_inputs = jax.lax.stop_gradient(router_inputs)
    # 2) router logits [B, S, E]
    router_logits = jnp.einsum('bse,ek->bsk', router_inputs, W_router)
    # 3) top-k then softmax over the selected logits (router_act_before_topk=False, softmax)
    top_vals, top_inds = jax.lax.top_k(router_logits, K)
    weights = jax.nn.softmax(top_vals, axis=-1)
    # 4) dense expert mask [B, S, E]
    expert_mask = create_expert_mask(top_inds, weights, E)
    # 5) routed LoRA experts: out = x + scale * sum_e mask[...,e] * (x @ A_e) @ B_e
    h = jnp.einsum('bsd,edr->bser', x, A)            # [B,S,E,R]
    h_weighted = h * expert_mask[..., None]           # weight by routing mask
    expert_out = jnp.einsum('bser,erd->bsd', h_weighted, Bw)
    out = x + SCALE * expert_out
    return out, router_logits

if __name__ == "__main__":
    import jax
    _d = setup_inputs()
    print(jax.jit(kernel)(*tuple(_d.values())))

</pallas_src>

<mosaic_0001>
#map = affine_map<(d0, d1) -> (0, 0)>
#map1 = affine_map<(d0, d1) -> (0)>
module attributes {stable_mosaic.version = 14 : i64} {
  func.func @sc_gather(%arg0: i32, %arg1: i32, %arg2: memref<4096x128xf32, #tpu.memory_space<hbm>>, %arg3: memref<4096xi32, #tpu.memory_space<hbm>>, %arg4: memref<4096x128xf32, #tpu.memory_space<hbm>>, %arg5: memref<256xi32, #tpu.memory_space<vmem>>, %arg6: memref<256x128xf32, #tpu.memory_space<vmem>>, %arg7: memref<!tpu.dma_semaphore, #tpu.memory_space<semaphore_mem>>) attributes {dimension_semantics = [#tpu.dimension_semantics<core_parallel>, #tpu.dimension_semantics<subcore_parallel>], iteration_bounds = array<i64: 1, 16>, scalar_prefetch = 0 : i64, scratch_operands = 3 : i64, tpu.core_type = #tpu.core_type<sc_vector_subcore>, window_params = [{transform_indices = #map}, {transform_indices = #map1}, {transform_indices = #map}]} {
    %mul3A = arith.constant 256 : i32
    %mul3A_0 = arith.muli %arg1, %mul3A : i32
    "tpu.region"() ({
      %run_scoped3A = tpu.sem_alloc : memref<!tpu.dma_semaphore, #tpu.memory_space<semaphore_mem>>
      %dma_start3A_5 = tpu.memref_slice %arg3[%mul3A_0] : memref<4096xi32, #tpu.memory_space<hbm>> -> memref<256xi32, #tpu.memory_space<hbm>>
      %dma_start3A_6 = tpu.memref_slice %arg3[%mul3A_0] : memref<4096xi32, #tpu.memory_space<hbm>> -> memref<256xi32, #tpu.memory_space<hbm>>
      tpu.enqueue_dma source(%dma_start3A_6 : memref<256xi32, #tpu.memory_space<hbm>>) target(%arg5 : memref<256xi32, #tpu.memory_space<vmem>>) target_semaphore(%run_scoped3A : memref<!tpu.dma_semaphore, #tpu.memory_space<semaphore_mem>>)
      %dma_wait3A_7 = tpu.memref_slice %arg3[%mul3A_0] : memref<4096xi32, #tpu.memory_space<hbm>> -> memref<256xi32, #tpu.memory_space<hbm>>
      %dma_wait3A_8 = tpu.memref_slice %arg3[%mul3A_0] : memref<4096xi32, #tpu.memory_space<hbm>> -> memref<256xi32, #tpu.memory_space<hbm>>
      tpu.wait_dma2 semaphore(%run_scoped3A : memref<!tpu.dma_semaphore, #tpu.memory_space<semaphore_mem>>) src(%dma_wait3A_8 : memref<256xi32, #tpu.memory_space<hbm>>) dst(%arg5 : memref<256xi32, #tpu.memory_space<vmem>>)
      tpu.yield
    }) : () -> ()
    %dma_start3A = arith.constant 0 : i32
    %dma_start3A_1 = arith.constant 0 : i32
    %dma_start3A_2 = tpu.memref_slice %arg2[%dma_start3A, %dma_start3A_1] : memref<4096x128xf32, #tpu.memory_space<hbm>> -> memref<4096x128xf32, #tpu.memory_space<hbm>>
    tpu.enqueue_indirect_dma source(%dma_start3A_2 : memref<4096x128xf32, #tpu.memory_space<hbm>>) target(%arg6 : memref<256x128xf32, #tpu.memory_space<vmem>>) offsets(%arg5 : memref<256xi32, #tpu.memory_space<vmem>>) semaphore(%arg7 : memref<!tpu.dma_semaphore, #tpu.memory_space<semaphore_mem>>)
    %dma_wait3A = arith.constant 0 : i32
    %dma_wait3A_3 = arith.constant 0 : i32
    %dma_wait3A_4 = tpu.memref_slice %arg2[%dma_wait3A, %dma_wait3A_3] : memref<4096x128xf32, #tpu.memory_space<hbm>> -> memref<4096x128xf32, #tpu.memory_space<hbm>>
    tpu.wait_indirect_dma semaphore(%arg7 : memref<!tpu.dma_semaphore, #tpu.memory_space<semaphore_mem>>) src(%dma_wait3A_4 : memref<4096x128xf32, #tpu.memory_space<hbm>>) dst(%arg6 : memref<256x128xf32, #tpu.memory_space<vmem>>)
    "tpu.region"() ({
      %run_scoped3A = tpu.sem_alloc : memref<!tpu.dma_semaphore, #tpu.memory_space<semaphore_mem>>
      %dma_start3A_5 = arith.constant 0 : i32
      %dma_start3A_6 = tpu.memref_slice %arg4[%mul3A_0, %dma_start3A_5] : memref<4096x128xf32, #tpu.memory_space<hbm>> -> memref<256x128xf32, #tpu.memory_space<hbm>>
      %dma_start3A_7 = arith.constant 0 : i32
      %dma_start3A_8 = tpu.memref_slice %arg4[%mul3A_0, %dma_start3A_7] : memref<4096x128xf32, #tpu.memory_space<hbm>> -> memref<256x128xf32, #tpu.memory_space<hbm>>
      tpu.enqueue_dma source(%arg6 : memref<256x128xf32, #tpu.memory_space<vmem>>) target(%dma_start3A_8 : memref<256x128xf32, #tpu.memory_space<hbm>>) target_semaphore(%run_scoped3A : memref<!tpu.dma_semaphore, #tpu.memory_space<semaphore_mem>>)
      %dma_wait3A_9 = arith.constant 0 : i32
      %dma_wait3A_10 = tpu.memref_slice %arg4[%mul3A_0, %dma_wait3A_9] : memref<4096x128xf32, #tpu.memory_space<hbm>> -> memref<256x128xf32, #tpu.memory_space<hbm>>
      %dma_wait3A_11 = arith.constant 0 : i32
      %dma_wait3A_12 = tpu.memref_slice %arg4[%mul3A_0, %dma_wait3A_11] : memref<4096x128xf32, #tpu.memory_space<hbm>> -> memref<256x128xf32, #tpu.memory_space<hbm>>
      tpu.wait_dma2 semaphore(%run_scoped3A : memref<!tpu.dma_semaphore, #tpu.memory_space<semaphore_mem>>) src(%arg6 : memref<256x128xf32, #tpu.memory_space<vmem>>) dst(%dma_wait3A_12 : memref<256x128xf32, #tpu.memory_space<hbm>>)
      tpu.yield
    }) : () -> ()
    return
  }
}

module attributes {stable_mosaic.version = 14 : i64} {
  func.func @_tc_fwd_body(%arg0: i32, %arg1: memref<2048x1024xf32, #tpu.memory_space<vmem>>, %arg2: memref<1024x16xf32, #tpu.memory_space<vmem>>, %arg3: memref<2048x128xf32, #tpu.memory_space<vmem>>) attributes {dimension_semantics = [#tpu.dimension_semantics<arbitrary>], iteration_bounds = array<i64: 2>, scalar_prefetch = 0 : i64, scratch_operands = 0 : i64, tpu.core_type = #tpu.core_type<tc>, window_params = [{transform_indices = @transform_0, window_bounds = array<i64: 2048, 1024>}, {pipeline_mode = #tpu.pipeline_mode<synchronous>, transform_indices = @transform_1, window_bounds = array<i64: 1024, 16>}, {transform_indices = @transform_2, window_bounds = array<i64: 2048, 128>}]} {
    %get3A = arith.constant 0 : index
    %get3A_0 = arith.constant 0 : index
    %get3A_1 = vector.load %arg1[%get3A, %get3A_0] : memref<2048x1024xf32, #tpu.memory_space<vmem>>, vector<2048x1024xf32>
    %get3A_2 = arith.constant 0 : index
    %get3A_3 = arith.constant 0 : index
    %get3A_4 = vector.load %arg2[%get3A_2, %get3A_3] : memref<1024x16xf32, #tpu.memory_space<vmem>>, vector<1024x16xf32>
    %dot_general3A = arith.constant dense<0.000000e+00> : vector<2048x16xf32>
    %dot_general3A_5 = tpu.matmul %get3A_1, %get3A_4, %dot_general3A {dimension_numbers = #tpu.dot_dimension_numbers<[1], [0], [0], [1], [0, 0, 1, 1], [], []>, transpose_lhs_hint = false} : vector<2048x1024xf32>, vector<1024x16xf32>, vector<2048x16xf32> -> vector<2048x16xf32>
    %broadcast_in_dim3A = arith.constant 0.000000e+00 : f32
    %broadcast_in_dim3A_6 = vector.broadcast %broadcast_in_dim3A : f32 to vector<2048x112xf32>
    %concatenate3A = tpu.concatenate %dot_general3A_5, %broadcast_in_dim3A_6 in 1 : vector<2048x16xf32>, vector<2048x112xf32> -> vector<2048x128xf32>
    %swap3A = arith.constant 0 : index
    %swap3A_7 = arith.constant 0 : index
    %swap3A_8 = vector.load %arg3[%swap3A, %swap3A_7] : memref<2048x128xf32, #tpu.memory_space<vmem>>, vector<2048x128xf32>
    tpu.vector_store %arg3[%swap3A, %swap3A_7], %concatenate3A {strides = array<i32>} : memref<2048x128xf32, #tpu.memory_space<vmem>>, vector<2048x128xf32>,
    return
  }
  func.func @transform_0(%arg0: i32) -> (i32, i32) {
    %c0_i32 = arith.constant 0 : i32
    %c0_i32_0 = arith.constant 0 : i32
    return %arg0, %c0_i32 : i32, i32
  }
  func.func @transform_1(%arg0: i32) -> (i32, i32) {
    %c0_i32 = arith.constant 0 : i32
    %c0_i32_0 = arith.constant 0 : i32
    %c0_i32_1 = arith.constant 0 : i32
    return %c0_i32, %c0_i32_0 : i32, i32
  }
  func.func @transform_2(%arg0: i32) -> (i32, i32) {
    %c0_i32 = arith.constant 0 : i32
    %c0_i32_0 = arith.constant 0 : i32
    return %arg0, %c0_i32 : i32, i32
  }
}

module attributes {stable_mosaic.version = 14 : i64} {
  func.func @_tc_out_body(%arg0: i32, %arg1: memref<2048x1024xf32, #tpu.memory_space<vmem>>, %arg2: memref<2048x128xf32, #tpu.memory_space<vmem>>, %arg3: memref<1024x256xbf16, #tpu.memory_space<vmem>>, %arg4: memref<256x1024xbf16, #tpu.memory_space<vmem>>, %arg5: memref<2048x1024xf32, #tpu.memory_space<vmem>>, %arg6: memref<2048x16xf32, #tpu.memory_space<vmem>>) attributes {dimension_semantics = [#tpu.dimension_semantics<arbitrary>], iteration_bounds = array<i64: 2>, scalar_prefetch = 0 : i64, scratch_operands = 0 : i64, tpu.core_type = #tpu.core_type<tc>, window_params = [{transform_indices = @transform_0, window_bounds = array<i64: 2048, 1024>}, {transform_indices = @transform_1, window_bounds = array<i64: 2048, 128>}, {pipeline_mode = #tpu.pipeline_mode<synchronous>, transform_indices = @transform_2, window_bounds = array<i64: 1024, 256>}, {pipeline_mode = #tpu.pipeline_mode<synchronous>, transform_indices = @transform_3, window_bounds = array<i64: 256, 1024>}, {transform_indices = @transform_4, window_bounds = array<i64: 2048, 1024>}, {transform_indices = @transform_5, window_bounds = array<i64: 2048, 16>}]} {
    %get3A = arith.constant 0 : index
    %get3A_0 = arith.constant 0 : index
    %get3A_1 = vector.load %arg2[%get3A, %get3A_0] : memref<2048x128xf32, #tpu.memory_space<vmem>>, vector<2048x16xf32>
    %iota3A = tpu.iota {dimensions = array<i32: 1>} : vector<2048x16xi32>
    %reduce_max3A = arith.constant dense<0xFF800000> : vector<2048xf32>
    %reduce_max3A_2 = vector.multi_reduction <maximumf>, %get3A_1, %reduce_max3A [1] : vector<2048x16xf32> to vector<2048xf32>
    %broadcast_in_dim3A = vector.shape_cast %reduce_max3A_2 : vector<2048xf32> to vector<2048x1xf32>
    %eq3A = vector.broadcast %broadcast_in_dim3A : vector<2048x1xf32> to vector<2048x16xf32>
    %eq3A_3 = arith.cmpf oeq, %get3A_1, %eq3A : vector<2048x16xf32>
    %jit3A = arith.constant 16 : i32
    %broadcast_in_dim3A_4 = vector.broadcast %jit3A : i32 to vector<2048x16xi32>
    %select_n3A = arith.select %eq3A_3, %iota3A, %broadcast_in_dim3A_4 : vector<2048x16xi1>, vector<2048x16xi32>
    %reduce_min3A = arith.constant dense<2147483647> : vector<2048xi32>
    %reduce_min3A_5 = vector.multi_reduction <minsi>, %select_n3A, %reduce_min3A [1] : vector<2048x16xi32> to vector<2048xi32>
    %broadcast_in_dim3A_6 = vector.shape_cast %reduce_min3A_5 : vector<2048xi32> to vector<2048x1xi32>
    %eq3A_7 = vector.broadcast %broadcast_in_dim3A_6 : vector<2048x1xi32> to vector<2048x16xi32>
    %eq3A_8 = arith.cmpi eq, %iota3A, %eq3A_7 : vector<2048x16xi32>
    %jit3A_9 = arith.constant 0xFF800000 : f32
    %broadcast_in_dim3A_10 = vector.broadcast %jit3A_9 : f32 to vector<2048x16xf32>
    %select_n3A_11 = arith.select %eq3A_8, %broadcast_in_dim3A_10, %get3A_1 : vector<2048x16xi1>, vector<2048x16xf32>
    %reduce_max3A_12 = arith.constant dense<0xFF800000> : vector<2048xf32>
    %reduce_max3A_13 = vector.multi_reduction <maximumf>, %select_n3A_11, %reduce_max3A_12 [1] : vector<2048x16xf32> to vector<2048xf32>
    %broadcast_in_dim3A_14 = vector.shape_cast %reduce_max3A_13 : vector<2048xf32> to vector<2048x1xf32>
    %eq3A_15 = vector.broadcast %broadcast_in_dim3A_14 : vector<2048x1xf32> to vector<2048x16xf32>
    %eq3A_16 = arith.cmpf oeq, %select_n3A_11, %eq3A_15 : vector<2048x16xf32>
    %jit3A_17 = arith.constant 16 : i32
    %broadcast_in_dim3A_18 = vector.broadcast %jit3A_17 : i32 to vector<2048x16xi32>
    %select_n3A_19 = arith.select %eq3A_16, %iota3A, %broadcast_in_dim3A_18 : vector<2048x16xi1>, vector<2048x16xi32>
    %reduce_min3A_20 = arith.constant dense<2147483647> : vector<2048xi32>
    %reduce_min3A_21 = vector.multi_reduction <minsi>, %select_n3A_19, %reduce_min3A_20 [1] : vector<2048x16xi32> to vector<2048xi32>
    %broadcast_in_dim3A_22 = vector.shape_cast %reduce_min3A_21 : vector<2048xi32> to vector<2048x1xi32>
    %eq3A_23 = vector.broadcast %broadcast_in_dim3A_22 : vector<2048x1xi32> to vector<2048x16xi32>
    %eq3A_24 = arith.cmpi eq, %iota3A, %eq3A_23 : vector<2048x16xi32>
    %sub3A = arith.subf %broadcast_in_dim3A_14, %broadcast_in_dim3A : vector<2048x1xf32>
    %exp3A = math.exp %sub3A : vector<2048x1xf32>
    %add3A = arith.constant 1.000000e+00 : f32
    %add3A_25 = vector.broadcast %add3A : f32 to vector<2048x1xf32>
    %add3A_26 = arith.addf %add3A_25, %exp3A : vector<2048x1xf32>
    %div3A = arith.constant 1.000000e+00 : f32
    %div3A_27 = vector.broadcast %div3A : f32 to vector<2048x1xf32>
    %div3A_28 = arith.divf %div3A_27, %add3A_26 : vector<2048x1xf32>
    %mul3A = arith.mulf %exp3A, %div3A_28 : vector<2048x1xf32>
    %jit3A_29 = arith.constant 0.000000e+00 : f32
    %broadcast_in_dim3A_30 = vector.shape_cast %div3A_28 : vector<2048x1xf32> to vector<2048x1xf32>
    %broadcast_in_dim3A_31 = vector.broadcast %broadcast_in_dim3A_30 : vector<2048x1xf32> to vector<2048x16xf32>
    %broadcast_in_dim3A_32 = vector.broadcast %jit3A_29 : f32 to vector<2048x16xf32>
    %select_n3A_33 = arith.select %eq3A_8, %broadcast_in_dim3A_31, %broadcast_in_dim3A_32 : vector<2048x16xi1>, vector<2048x16xf32>
    %jit3A_34 = arith.constant 0.000000e+00 : f32
    %broadcast_in_dim3A_35 = vector.shape_cast %mul3A : vector<2048x1xf32> to vector<2048x1xf32>
    %broadcast_in_dim3A_36 = vector.broadcast %broadcast_in_dim3A_35 : vector<2048x1xf32> to vector<2048x16xf32>
    %broadcast_in_dim3A_37 = vector.broadcast %jit3A_34 : f32 to vector<2048x16xf32>
    %select_n3A_38 = arith.select %eq3A_24, %broadcast_in_dim3A_36, %broadcast_in_dim3A_37 : vector<2048x16xi1>, vector<2048x16xf32>
    %add3A_39 = arith.addf %select_n3A_33, %select_n3A_38 : vector<2048x16xf32>
    %iota3A_40 = tpu.iota {dimensions = array<i32: 0>} : vector<16x256xi32>
    %iota3A_41 = tpu.iota {dimensions = array<i32: 1>} : vector<16x256xi32>
    %jit3A_42 = arith.constant 16 : i32
    %div3A_43 = vector.broadcast %jit3A_42 : i32 to vector<16x256xi32>
    %div3A_44 = arith.divsi %iota3A_41, %div3A_43 : vector<16x256xi32>
    %sign3A = arith.constant 0 : i32
    %sign3A_45 = vector.broadcast %sign3A : i32 to vector<16x256xi32>
    %sign3A_46 = arith.cmpi sgt, %iota3A_41, %sign3A_45 : vector<16x256xi32>
    %sign3A_47 = arith.extui %sign3A_46 : vector<16x256xi1> to vector<16x256xi32>
    %sign3A_48 = arith.constant 0 : i32
    %sign3A_49 = vector.broadcast %sign3A_48 : i32 to vector<16x256xi32>
    %sign3A_50 = arith.cmpi slt, %iota3A_41, %sign3A_49 : vector<16x256xi32>
    %sign3A_51 = arith.extui %sign3A_50 : vector<16x256xi1> to vector<16x256xi32>
    %sign3A_52 = arith.subi %sign3A_47, %sign3A_51 : vector<16x256xi32>
    %sign3A_53 = arith.constant 0 : i32
    %sign3A_54 = arith.cmpi sgt, %jit3A_42, %sign3A_53 : i32
    %sign3A_55 = arith.extui %sign3A_54 : i1 to i32
    %sign3A_56 = arith.constant 0 : i32
    %sign3A_57 = arith.cmpi slt, %jit3A_42, %sign3A_56 : i32
    %sign3A_58 = arith.extui %sign3A_57 : i1 to i32
    %sign3A_59 = arith.subi %sign3A_55, %sign3A_58 : i32
    %ne3A = vector.broadcast %sign3A_59 : i32 to vector<16x256xi32>
    %ne3A_60 = arith.cmpi ne, %sign3A_52, %ne3A : vector<16x256xi32>
    %rem3A = vector.broadcast %jit3A_42 : i32 to vector<16x256xi32>
    %rem3A_61 = arith.remsi %iota3A_41, %rem3A : vector<16x256xi32>
    %ne3A_62 = arith.constant 0 : i32
    %ne3A_63 = vector.broadcast %ne3A_62 : i32 to vector<16x256xi32>
    %ne3A_64 = arith.cmpi ne, %rem3A_61, %ne3A_63 : vector<16x256xi32>
    %and3A = arith.andi %ne3A_60, %ne3A_64 : vector<16x256xi1>
    %sub3A_65 = arith.constant 1 : i32
    %sub3A_66 = vector.broadcast %sub3A_65 : i32 to vector<16x256xi32>
    %sub3A_67 = arith.subi %div3A_44, %sub3A_66 : vector<16x256xi32>
    %select_n3A_68 = arith.select %and3A, %sub3A_67, %div3A_44 : vector<16x256xi1>, vector<16x256xi32>
    %eq3A_69 = arith.cmpi eq, %select_n3A_68, %iota3A_40 : vector<16x256xi32>
    %convert_element_type3A = arith.extui %eq3A_69 : vector<16x256xi1> to vector<16x256xi32>
    %convert_element_type3A_70 = arith.sitofp %convert_element_type3A : vector<16x256xi32> to vector<16x256xf32>
    %dot_general3A = arith.constant dense<0.000000e+00> : vector<2048x256xf32>
    %dot_general3A_71 = tpu.matmul %add3A_39, %convert_element_type3A_70, %dot_general3A {dimension_numbers = #tpu.dot_dimension_numbers<[1], [0], [0], [1], [0, 0, 1, 1], [], []>, transpose_lhs_hint = false} : vector<2048x16xf32>, vector<16x256xf32>, vector<2048x256xf32> -> vector<2048x256xf32>
    %get3A_72 = arith.constant 0 : index
    %get3A_73 = arith.constant 0 : index
    %get3A_74 = vector.load %arg1[%get3A_72, %get3A_73] : memref<2048x1024xf32, #tpu.memory_space<vmem>>, vector<2048x1024xf32>
    %convert_element_type3A_75 = arith.truncf %get3A_74 : vector<2048x1024xf32> to vector<2048x1024xbf16>
    %get3A_76 = arith.constant 0 : index
    %get3A_77 = arith.constant 0 : index
    %get3A_78 = vector.load %arg3[%get3A_76, %get3A_77] : memref<1024x256xbf16, #tpu.memory_space<vmem>>, vector<1024x256xbf16>
    %dot_general3A_79 = arith.constant dense<0.000000e+00> : vector<2048x256xf32>
    %dot_general3A_80 = tpu.matmul %convert_element_type3A_75, %get3A_78, %dot_general3A_79 {dimension_numbers = #tpu.dot_dimension_numbers<[1], [0], [0], [1], [0, 0, 1, 1], [], []>, transpose_lhs_hint = false} : vector<2048x1024xbf16>, vector<1024x256xbf16>, vector<2048x256xf32> -> vector<2048x256xf32>
    %mul3A_81 = arith.mulf %dot_general3A_80, %dot_general3A_71 : vector<2048x256xf32>
    %convert_element_type3A_82 = arith.truncf %mul3A_81 : vector<2048x256xf32> to vector<2048x256xbf16>
    %get3A_83 = arith.constant 0 : index
    %get3A_84 = arith.constant 0 : index
    %get3A_85 = vector.load %arg4[%get3A_83, %get3A_84] : memref<256x1024xbf16, #tpu.memory_space<vmem>>, vector<256x1024xbf16>
    %dot_general3A_86 = arith.constant dense<0.000000e+00> : vector<2048x1024xf32>
    %dot_general3A_87 = tpu.matmul %convert_element_type3A_82, %get3A_85, %dot_general3A_86 {dimension_numbers = #tpu.dot_dimension_numbers<[1], [0], [0], [1], [0, 0, 1, 1], [], []>, transpose_lhs_hint = false} : vector<2048x256xbf16>, vector<256x1024xbf16>, vector<2048x1024xf32> -> vector<2048x1024xf32>
    %mul3A_88 = arith.constant 1.000000e+00 : f32
    %mul3A_89 = vector.broadcast %mul3A_88 : f32 to vector<2048x1024xf32>
    %mul3A_90 = arith.mulf %mul3A_89, %dot_general3A_87 : vector<2048x1024xf32>
    %add3A_91 = arith.addf %get3A_74, %mul3A_90 : vector<2048x1024xf32>
    %swap3A = arith.constant 0 : index
    %swap3A_92 = arith.constant 0 : index
    %swap3A_93 = vector.load %arg5[%swap3A, %swap3A_92] : memref<2048x1024xf32, #tpu.memory_space<vmem>>, vector<2048x1024xf32>
    tpu.vector_store %arg5[%swap3A, %swap3A_92], %add3A_91 {strides = array<i32>} : memref<2048x1024xf32, #tpu.memory_space<vmem>>, vector<2048x1024xf32>,
    %swap3A_94 = arith.constant 0 : index
    %swap3A_95 = arith.constant 0 : index
    %swap3A_96 = vector.load %arg6[%swap3A_94, %swap3A_95] : memref<2048x16xf32, #tpu.memory_space<vmem>>, vector<2048x16xf32>
    tpu.vector_store %arg6[%swap3A_94, %swap3A_95], %get3A_1 {strides = array<i32>} : memref<2048x16xf32, #tpu.memory_space<vmem>>, vector<2048x16xf32>,
    return
  }
  func.func @transform_0(%arg0: i32) -> (i32, i32) {
    %c0_i32 = arith.constant 0 : i32
    %c0_i32_0 = arith.constant 0 : i32
    return %arg0, %c0_i32 : i32, i32
  }
  func.func @transform_1(%arg0: i32) -> (i32, i32) {
    %c0_i32 = arith.constant 0 : i32
    %c0_i32_0 = arith.constant 0 : i32
    return %arg0, %c0_i32 : i32, i32
  }
  func.func @transform_2(%arg0: i32) -> (i32, i32) {
    %c0_i32 = arith.constant 0 : i32
    %c0_i32_0 = arith.constant 0 : i32
    %c0_i32_1 = arith.constant 0 : i32
    return %c0_i32, %c0_i32_0 : i32, i32
  }
  func.func @transform_3(%arg0: i32) -> (i32, i32) {
    %c0_i32 = arith.constant 0 : i32
    %c0_i32_0 = arith.constant 0 : i32
    %c0_i32_1 = arith.constant 0 : i32
    return %c0_i32, %c0_i32_0 : i32, i32
  }
  func.func @transform_4(%arg0: i32) -> (i32, i32) {
    %c0_i32 = arith.constant 0 : i32
    %c0_i32_0 = arith.constant 0 : i32
    return %arg0, %c0_i32 : i32, i32
  }
  func.func @transform_5(%arg0: i32) -> (i32, i32) {
    %c0_i32 = arith.constant 0 : i32
    %c0_i32_0 = arith.constant 0 : i32
    return %arg0, %c0_i32 : i32, i32
  }
}

</mosaic_0001>

<sc_bundles>
// kernel: kernel.5.cloned.1.call-start
scs
__scs_entry_jumppad:
0x0: {  	(pc) =	sbr.rel $0x88, $3  }
0x1: {  	(tag) =	ssettag $0x0;
	lr =	simm.s32 $0x1  }
0x2: {  	[smem:$0x3F9C] =	sst lr;
	_ =	strace $0xD0000000  }
0x3: {  	_ = 	snop  }
0x4: {  	_ = 	snop  }
0x5: {  	_ = 	snop  }
0x6: {  	_ = 	snop  }
0x7: {  	_ = 	snop  }
__scs_overlays_trampoline_lowered:
0x8: {  	[smem:$0x3FAB] =	sst s0  }
0x9: {  	[smem:$0x3FAC] =	sst s1  }
0xa: {  	[smem:$0x3FAD] =	sst s2  }
0xb: {  	[smem:$0x3FAE] =	sst s3  }
0xc: {  	[smem:$0x3FAF] =	sst s4  }
0xd: {  	[smem:$0x3FB0] =	sst s5  }
0xe: {  	[smem:$0x3FB1] =	sst s6  }
0xf: {  	[smem:$0x3FB2] =	sst s7  }
0x10: {  	[smem:$0x3FB3] =	sst s8  }
0x11: {  	[smem:$0x3FB4] =	sst s9;
	s0 =	simm.s32 @!p0 $0x0  }
0x12: {  	s1 =	sld [smem:$0x3F9A];
	s0 =	simm.s32 @p0 $0x1  }
0x13: {  	[smem:$0x3FB5] =	sst s0;
	s0 =	simm.s32 @!p1 $0x0  }
0x14: {  	s2 =	sld [smem:$0x3F99];
	s0 =	simm.s32 @p1 $0x1  }
0x15: {  	[smem:$0x3FB6] =	sst s0;
	s0 =	simm.s32 @!p2 $0x0  }
0x16: {  	s3 =	sld [smem:$0x3FDB];
	s0 =	simm.s32 @p2 $0x1  }
0x17: {  	s4 =	simm.s32 $0x1BF5;
	[smem:$0x3FB8] =	sst s0  }
0x18: {  	s0 =	sld [smem:$0x3F9B];
	_ =	swait.ge [sflag:s4], $0x0  }
0x19: {  	s7 =	sld [smem:$0x3F9C]  }
0x1a: {  	s8 =	sadd.s32 $0xFFFFE003, lr  }
0x1b: {  	s9 =	sadd.s32 $0xFFFFFEF7, lr;
	s5 =	simm.s32 $0xFFFFFFFF;
	p2 =	slt.u32 s8, $0xFFFFF086  }
0x1c: {  	p1 =	slt.u32 s9, $0xF7A;
	s5 =	simm.s32 @!p2 $0x0  }
0x1d: {  	s5 =	simm.s32 @p1 $0x1;
	p0 =	seq.s32 s7, s2  }
0x1e: {  	s7 =	smul.u32 @!p0 $0xF7A, s2;
	p2 =	seq.s32 @!p0 s5, $0x0  }
0x1f: {  	s9 =	smul.u32 $0xF7A, s1;
	s8 =	simm.s32 @!p0 $0x1BF5;
	p2 =	por !p2, p0  }
0x20: {  	[sflag:s8] =	ssyncset.s32 @!p0 $0xFFFFF086;
	s6 =	sadd.s32 @!p0 s3, s7;
	s7 =	simm.s32 @!p0 $0x108  }
0x21: {  	s3 =	sadd.s32 s3, s9;
	s6 =	sadd.s32 @!p0 $0x88, s6;
	s7 =	simm.s32 @p2 $0x1082  }
0x22: {  	[simem:s7], [sflag:s8] =	dma.local @!p0 [hbm:s6], $0xF7A  }
0x23: {  	s9 =	sor.u32 $0xD0000000, s2;
	s6 =	simm.s32 $0x108;
	_ =	swait.ge @!p0 [sflag:s8], $0x0  }
0x24: {  	s3 =	sadd.s32 $0x88, s3;
	s6 =	simm.s32 @!p1 $0x1082;
	[sflag:s4] =	ssyncset.s32 $0xFFFFF086  }
0x25: {  	[simem:s6], [sflag:s4] =	dma.local [hbm:s3], $0xF7A  }
0x26: {  	[smem:$0x3F9C] =	sst s1;
	(tag) =	ssettag s2;
	_ =	strace s9  }
0x27: {  	s1 =	sld [smem:$0x3FAC]  }
0x28: {  	s2 =	sld [smem:$0x3FAD]  }
0x29: {  	s4 =	sld [smem:$0x3FAF]  }
0x2a: {  	p0 =	seq.s32 s5, $0x0;
	s5 =	sld [smem:$0x3FB0]  }
0x2b: {  	s6 =	sld [smem:$0x3FB1]  }
0x2c: {  	s7 =	sld [smem:$0x3FB2]  }
0x2d: {  	s3 =	simm.s32 $0x108;
	s8 =	sld [smem:$0x3FB3]  }
0x2e: {  	s3 =	simm.s32 @!p0 $0x1082;
	s9 =	sld [smem:$0x3FB4]  }
0x2f: {  	lr =	sadd.s32 s0, s3;
	s0 =	sld [smem:$0x3FAB]  }
0x30: {  	s3 =	sld [smem:$0x3FAE]  }
0x31: {  	[smem:$0x3FB7] =	sst s10  }
0x32: {  	s10 =	sld [smem:$0x3FB5];
	_ =	sdelay $0x3  }
0x33: {  	p0 =	seq.s32 s10, $0x1;
	s10 =	sld [smem:$0x3FB7];
	_ =	sdelay $0x3  }
0x34: {  	[smem:$0x3FB7] =	sst s10  }
0x35: {  	s10 =	sld [smem:$0x3FB6];
	_ =	sdelay $0x3  }
0x36: {  	p1 =	seq.s32 s10, $0x1;
	s10 =	sld [smem:$0x3FB7];
	_ =	sdelay $0x3  }
0x37: {  	[smem:$0x3FB7] =	sst s10  }
0x38: {  	s10 =	sld [smem:$0x3FB8]  }
0x39: {  	_ = 	snop;
	(pc) =	sbr.ind lr, $3  }
0x3a: {  	_ = 	snop  }
0x3b: {  	_ = 	snop  }
0x3c: {  	p2 =	seq.s32 s10, $0x1;
	s10 =	sld [smem:$0x3FB7]  }
0x3d: {  	_ =	shalt  }
0x3e: {  	_ =	shalt  }
0x3f: {  	_ =	shalt  }
0x40: {  	_ =	shalt  }
0x41: {  	_ =	shalt  }
0x42: {  	_ =	shalt  }
0x43: {  	_ =	shalt  }
0x44: {  	_ =	shalt  }
0x45: {  	_ =	shalt  }
0x46: {  	_ =	shalt  }
0x47: {  	_ =	shalt  }
0x48: {  	_ =	shalt  }
0x49: {  	_ =	shalt  }
0x4a: {  	_ =	shalt  }
0x4b: {  	_ =	shalt  }
0x4c: {  	_ =	shalt  }
0x4d: {  	_ =	shalt  }
0x4e: {  	_ =	shalt  }
0x4f: {  	_ =	shalt  }
0x50: {  	_ =	shalt  }
0x51: {  	_ =	shalt  }
0x52: {  	_ =	shalt  }
0x53: {  	_ =	shalt  }
0x54: {  	_ =	shalt  }
0x55: {  	_ =	shalt  }
0x56: {  	_ =	shalt  }
0x57: {  	_ =	shalt  }
0x58: {  	_ =	shalt  }
0x59: {  	_ =	shalt  }
0x5a: {  	_ =	shalt  }
0x5b: {  	_ =	shalt  }
0x5c: {  	_ =	shalt  }
0x5d: {  	_ =	shalt  }
0x5e: {  	_ =	shalt  }
0x5f: {  	_ =	shalt  }
0x60: {  	_ =	shalt  }
0x61: {  	_ =	shalt  }
0x62: {  	_ =	shalt  }
0x63: {  	_ =	shalt  }
0x64: {  	_ =	shalt  }
0x65: {  	_ =	shalt  }
0x66: {  	_ =	shalt  }
0x67: {  	_ =	shalt  }
0x68: {  	_ =	shalt  }
0x69: {  	_ =	shalt  }
0x6a: {  	_ =	shalt  }
0x6b: {  	_ =	shalt  }
0x6c: {  	_ =	shalt  }
0x6d: {  	_ =	shalt  }
0x6e: {  	_ =	shalt  }
0x6f: {  	_ =	shalt  }
0x70: {  	_ =	shalt  }
0x71: {  	_ =	shalt  }
0x72: {  	_ =	shalt  }
0x73: {  	_ =	shalt  }
0x74: {  	_ =	shalt  }
0x75: {  	_ =	shalt  }
0x76: {  	_ =	shalt  }
0x77: {  	_ =	shalt  }
0x78: {  	_ =	shalt  }
0x79: {  	_ =	shalt  }
0x7a: {  	_ =	shalt  }
0x7b: {  	_ =	shalt  }
0x7c: {  	_ =	shalt  }
0x7d: {  	_ =	shalt  }
0x7e: {  	_ =	shalt  }
0x7f: {  	_ =	shalt  }
0x80: {  	_ =	shalt  }
0x81: {  	_ =	shalt  }
0x82: {  	_ =	shalt  }
0x83: {  	_ =	shalt  }
0x84: {  	_ =	shalt  }
0x85: {  	_ =	shalt  }
0x86: {  	_ =	shalt  }
0x87: {  	_ =	shalt  }
.Lfunc_end0:
.L_simem_size_0:
called_computation_lowered:
.L_overlay_start_0:
0x88: {  	s0 =	sld [smem:$0x3FD9]  }
0x89: {  	s1 =	sld [smem:$0x3FFE];
	_ =	sdelay $0x3  }
0x8a: {  	s0 =	sadd.s32 s1, s0  }
0x8b: {  	[smem:$0x3FC3] =	sst s0  }
0x8c: {  	_ = 	snop  }
0x8d: {  	s0 =	sld [smem:$0x3FD0];
	_ =	sdelay $0x2  }
0x8e: {  	s13 =	simm.s32 $0xA;
	s2 =	simm.s32 $0x10  }
0x8f: {  	[smem:s2], [sflag:s13] =	dma.local [hbm:s0], $0x1  }
0x90: {  	_ =	swait.eq [sflag:s13], $0x1  }
0x91: {  	[sflag:s13] =	ssyncset.done $0x0  }
0x92: {  	s14 =	sld [smem:$0x10];
	[sflag:s13] =	ssyncadd.s32 $0xFFFFFFFF  }
0x93: {  	s15 =	sld [smem:$0x11];
	(tm) =	ssettm $0x1  }
0x94: {  	s16 =	sld [smem:$0x3FFB];
	_ =	sdelay $0x3  }
0x95: {  	_ =	strace s16  }
0x96: {  	s2 =	sld [smem:$0x3FFC];
	_ =	sdelay $0x3  }
0x97: {  	_ =	strace s2  }
0x98: {  	s2 =	sld [smem:$0x3FFD];
	_ =	sdelay $0x3  }
0x99: {  	_ =	strace s2  }
0x9a: {  	_ =	strace $0x8FFFFFFF  }
0x9b: {  	s17 =	sld [smem:$0x3FDB];
	_ =	sdelay $0x1  }
0x9c: {  	s3 =	simm.s32 $_scs_section_size  }
0x9d: {  	s4 =	simm.s32 $_size__tile_overlayer_lowered;
	s5 =	simm.s32 $_tile_overlayer_lowered  }
0x9e: {  	s20 =	simm.s32 $0x1BFF;
	s19 =	sshll.u32 s5, $0x1;
	s2 =	sadd.s32 s3, s17  }
0x9f: {  	s6 =	simm.s32 $0x0;
	s18 =	sshll.u32 s4, $0x1;
	s4 =	sadd.s32 s19, s2  }
0xa0: {  	[timem:s6], [sflag:s20] =	dma.local [hbm:s4], s18  }
0xa1: {  	_ =	swait.ge [sflag:s20], s18  }
0xa2: {  	s3 =	ssub.s32 $0x0, s18;
	[sflag:s20] =	ssyncset.done $0x0  }
0xa3: {  	[sflag:s20] =	ssyncadd.s32 s3;
	_ =	sdelay $0x1  }
0xa4: {  	s21 =	simm.s32 $0x1B8B  }
0xa5: {  	_ =	swait.ge [sflag:s21], $0x1  }
0xa6: {  	[sflag:s21] =	ssyncset.done $0x0  }
0xa7: {  	s23 =	simm.s32 $0x1B8E;
	s22 =	sld [smem:$0x3FFE];
	[sflag:s21] =	ssyncadd.s32 $0xFFFFFFFF  }
0xa8: {  	s24 =	simm.s32 $execute0_lowered;
	[smem:$0x3FD2] =	sst s23  }
0xa9: {  	s4 =	sshll.u32 s24, $0x1;
	_ =	strace $0x80000046;
	[dreg:$0x1] =	wrdreg $0xFFFFFFFF  }
0xaa: {  	s25 =	simm.s32 $_size_execute0_lowered;
	s2 =	sadd.s32 s2, s4;
	[dreg:$0x0] =	wrdreg $0x0  }
0xab: {  	s4 =	sshll.u32 s25, $0x1;
	[dreg:$0x2] =	wrdreg s2  }
0xac: {  	[dreg:$0x3] =	wrdreg s4  }
0xad: {  	[dreg:$0x4] =	wrdreg $0xC0  }
0xae: {  	_ =	task [dreg:s6], $0x5FFFF  }
0xaf: {  	[dreg:$0x1] =	wrdreg $0xFFFFFFFF  }
0xb0: {  	[dreg:$0x0] =	wrdreg $0x60  }
0xb1: {  	[dreg:$0x2] =	wrdreg s14  }
0xb2: {  	[dreg:$0x3] =	wrdreg s15  }
0xb3: {  	[dreg:$0x4] =	wrdreg s22  }
0xb4: {  	[dreg:$0x5] =	wrdreg $0x9  }
0xb5: {  	_ =	task.clear_ibuf [dreg:s6], $0x6FFFF;
	_ =	strace $0x90000046  }
0xb6: {  	s26 =	simm.s32 $0x9;
	_ =	strace $0x80000048  }
0xb7: {  	_ =	swait.ge [sflag:s26], $0x1  }
0xb8: {  	[sflag:s26] =	ssyncadd.s32 $0xFFFFFFFF  }
0xb9: {  	_ =	strace $0x90000048  }
0xba: {  	_ =	sfence  }
0xbb: {  	s28 =	sld [smem:$0x0];
	_ =	sdelay $0x1  }
0xbc: {  	s29 =	srdreg.scid  }
0xbd: {  	s30 =	sshll.u32 s29, $0xD;
	s31 =	sshrl.u32 s29, $0x2  }
0xbe: {  	s1 =	sand.u32 $0x1, s29;
	s2 =	sand.u32 $0x4000, s30;
	s0 =	sadd.s32 s31, s28  }
0xbf: {  	s1 =	sor.u32 s2, s1;
	s0 =	sshll.u32 s0, $0x11  }
0xc0: {  	s0 =	sor.u32 s0, s1  }
0xc1: {  	s0 =	sadd.s32 $0x8F2B, s0  }
0xc2: {  	[sflag:s0] =	ssyncadd.remote.s32 $0x1  }
0xc3: {  	_ =	sfence.sel $0xFFFF  }
0xc4: {  	[dreg:$0x0] =	wrdreg $0xFFFFFFFF;
	(pc) =	sbr.abs _section_cstart, $3  }
0xc5: {  	[dreg:$0x1] =	wrdreg $0xFFFFFFFF  }
0xc6: {  	_ =	task.clear_ibuf [dreg:s6], $0x2FFFF;
	_ =	strace $0x9FFFFFFF  }
0xc7: {  	(tm) =	ssettm $0x7FFFFFFF  }
tec
execute0_lowered:
.L_overlay_start_1:
0x0: {  	(tag) =	ssettag $0x1  }
0x1: {  	s0 =	rddreg [dreg:$0x0]  }
0x2: {  	s1 =	rddreg [dreg:$0x1]  }
0x3: {  	s2 =	rddreg [dreg:$0x2]  }
0x4: {  	s3 =	rddreg [dreg:$0x3];
	s4 =	simm.s32 $0x0;
	s5 =	stileid.u32  }
0x5: {  	[smem:$0x7FF] =	sst s4;
	s6 =	sshll.u32 s5, $0x5  }
0x6: {  	s29 =	simm.s32 $0x2;
	_ =	strace $0x80000047;
	s1 =	sadd.s32 s1, s6  }
0x7: {  	[tilespmem:s4], [sflag:$0x2] =	stream.linear.gather [hbm4b:s1+s4], $0x100, $0x38;
	[tilespmem:$0x8100] =	vst v63  }
0x8: {  	_ =	swait.ge [sflag:s29], $0x100  }
0x9: {  	[sflag:s29] =	ssyncset.done $0x0  }
0xa: {  	s30 =	simm.s32 $0x100;
	s31 =	simm.s32 $0x1;
	[sflag:s29] =	ssyncadd.s32 $0xFFFFFF00  }
0xb: {  	[tilespmem:s30], [sflag:$0x1] =	stream.indirect.gather [hbm4b:s0+s30], $0x80, s4, s30, $0xb8;
	[tilespmem:$0x8100] =	vst v63  }
0xc: {  	s7 =	sshll.u32 s5, $0xC;
	_ =	swait.ge [sflag:s31], $0x8000  }
0xd: {  	s2 =	sadd.s32 s7, s2;
	[sflag:s31] =	ssyncset.done $0x0  }
0xe: {  	s2 =	sadd.s32 $0x1000, s2;
	[sflag:s31] =	ssyncadd.s32 $0xFFFF8000  }
0xf: {  	[hbm4b:s2+s4] =	stream.linear.scatter [tilespmem:s30], [sflag:$0x2], $0x8000, $0x38;
	[tilespmem:$0x8100] =	vst v63  }
0x10: {  	_ =	swait.ge [sflag:s29], $0x8000  }
0x11: {  	[sflag:s29] =	ssyncset.done $0x0  }
0x12: {  	[sflag:s29] =	ssyncadd.s32 $0xFFFF8000  }
0x13: {  	_ =	sfence.sel $0x180000  }
0x14: {  	[bflag:$0x0] =	sbarrier.arrive $0xFFFF  }
0x15: {  	p0 =	sne.s32 s5, $0x0;
	_ =	strace $0x90000047  }
0x16: {  	s0 =	sadd.s32 @!p0 $0x100000, s3;
	[bflag:$0x2] =	sbarrier.arrive $0xFFFF  }
0x17: {  	[sflag:s0] =	ssyncadd.tile.s32 @!p0 $0x1;
	_ =	shalt  }
.Lfunc_end2:
_tile_overlayer_lowered:
.L_overlay_start_2:
0x18: {  	(tag) =	ssettag $0x2  }
0x19: {  	s0 =	rddreg [dreg:$0x0];
	s2 =	stileid.u32  }
0x1a: {  	s1 =	rddreg [dreg:$0x1];
	p0 =	sne.s32 s2, $0x0  }
0x1b: {  	s3 =	rddreg [dreg:$0x2];
	[bflag:$0x3] =	sbarrier.arrive $0xFFFF;
	s2 =	simm.s32 @!p0 $0x1C02  }
0x1c: {  	[timem:s3], [sflag:s2] =	dma.local @!p0 [hbm:s0], s1  }
0x1d: {  	s0 =	simm.s32 @!p0 $0x2  }
0x1e: {  	_ =	swait.ge @!p0 [sflag:s0], s1  }
0x1f: {  	s1 =	ssub.s32 @!p0 $0x0, s1;
	[sflag:s0] =	ssyncset.done @!p0 $0x0  }
0x20: {  	[sflag:s0] =	ssyncadd.s32 @!p0 s1  }
0x21: {  	[bflag:$0x3] =	sbarrier.arrive $0xFFFF  }
0x22: {  	_ =	shalt  }

</sc_bundles>
